<compile_context>
chip_gen: v7x
topology: tpu7x:2x2x1
jax: 0.10.2.dev20260603
libtpu: 0.0.44.dev20260713+nightly
codegen_flags: <defaults>
</compile_context>

<pallas_src>
import functools

import jax
import jax.numpy as jnp
from jax import lax
from jax.experimental import pallas as pl
from jax.experimental.pallas import tpu as pltpu
from jax.experimental.pallas import tpu_sc as plsc

_TBL = 1001
_BATCH = 16384
_NC, _NS, _L = 2, 16, 16
_NTAB = 6
_NQ = 4
_Q = _BATCH // _NQ
_CHUNKS = _Q // _L


def _body(t_hbm, b_hbm, ab_hbm, sab_hbm, somab_hbm, sra_hbm, sig_hbm,
          out_hbm, idx_v, tab_v, out_v, sem_i, sem_t, sem_o):
    wid = lax.axis_index("s") * _NC + lax.axis_index("c")

    @pl.when(wid < _NTAB * _NQ)
    def _():
        j = wid // _NQ
        q = wid % _NQ
        base = q * _Q

        half = _Q // 2
        idx_cps = [
            pltpu.make_async_copy(
                t_hbm.at[pl.ds(base + h * half, half)],
                idx_v.at[pl.ds(h * half, half)], sem_i)
            for h in range(2)
        ]
        for cp in idx_cps:
            cp.start()
        srcs = (b_hbm, sig_hbm, ab_hbm, sab_hbm, somab_hbm, sra_hbm)
        for jj, src in enumerate(srcs):
            @pl.when(j == jj)
            def _():
                pltpu.make_async_copy(src, tab_v, sem_t).start()
        pltpu.make_async_copy(srcs[0], tab_v, sem_t).wait()

        out_cps = [
            pltpu.make_async_copy(
                out_v.at[pl.ds(h * half, half)],
                out_hbm.at[pl.ds(j * _BATCH + base + h * half, half)], sem_o)
            for h in range(2)
        ]
        for h in range(2):
            idx_cps[h].wait()

            @plsc.parallel_loop(h * _CHUNKS // 2, (h + 1) * _CHUNKS // 2,
                                unroll=4)
            def _(c):
                idx = idx_v[pl.ds(c * _L, _L)]
                out_v[pl.ds(c * _L, _L)] = plsc.load_gather(tab_v, [idx])

            out_cps[h].start()
        for cp in out_cps:
            cp.wait()


@jax.jit
def kernel(t, betas, alphas_bar, sqrt_alphas_bar, sqrt_one_minus_alphas_bar,
           sqrt_recip_alphas, sigmas):
    run = functools.partial(
        pl.kernel,
        mesh=plsc.VectorSubcoreMesh(core_axis_name="c", subcore_axis_name="s"),
        compiler_params=pltpu.CompilerParams(
            needs_layout_passes=False,
            disable_bounds_checks=True,
            skip_device_barrier=True,
        ),
        out_type=jax.ShapeDtypeStruct((_NTAB * _BATCH,), jnp.float32),
        scratch_types=[
            pltpu.VMEM((_Q,), jnp.int32),
            pltpu.VMEM((_TBL,), jnp.float32),
            pltpu.VMEM((_Q,), jnp.float32),
            pltpu.SemaphoreType.DMA,
            pltpu.SemaphoreType.DMA,
            pltpu.SemaphoreType.DMA,
        ],
    )(_body)
    out = run(t.astype(jnp.int32), betas, alphas_bar, sqrt_alphas_bar,
              sqrt_one_minus_alphas_bar, sqrt_recip_alphas, sigmas)
    return out.reshape(_NTAB, _BATCH, 1, 1, 1)

# --- scband reference (transcript-rebuilt; emitter-appended) ---
"""Pipeline reference for scband-cosine-beta-scheduler-1099511628245 (READ-ONLY COPY).

The authoritative reference and input builder live on the scoring server;
editing this copy changes nothing except your own understanding.
"""

import jax, jax.numpy as jnp
import numpy as np

TIMESTEPS = 1000
S = 0.008
BATCH = 16384


def _make_buffers(timesteps=TIMESTEPS, s=S):
    t = jnp.arange(timesteps + 1, dtype=jnp.float32)
    numerator = (t / timesteps + s) / (1.0 + s)
    f_t = jnp.cos(numerator * (jnp.pi / 2.0)) ** 2
    denominator = f_t[0]
    alphas_bar_raw = f_t / denominator
    betas = 1.0 - alphas_bar_raw[1:] / alphas_bar_raw[:-1]
    betas = jnp.clip(betas, 0.0, 0.999)
    betas = jnp.concatenate([jnp.zeros((1,), dtype=jnp.float32), betas])
    alphas = 1.0 - betas
    alphas_bar = jnp.cumprod(alphas, axis=0)
    return {
        'betas': betas,
        'alphas_bar': alphas_bar,
        'sqrt_alphas_bar': jnp.sqrt(alphas_bar),
        'sqrt_one_minus_alphas_bar': jnp.sqrt(1.0 - alphas_bar),
        'sqrt_recip_alphas': jnp.sqrt(1.0 / alphas),
        'sigmas': jnp.sqrt(betas),
    }


def setup_inputs(seed: int = 0) -> dict:
    key = jax.random.key(seed)
    t = jax.random.randint(key, (BATCH,), 0, TIMESTEPS + 1, dtype=jnp.int64 if jax.config.jax_enable_x64 else jnp.int32)
    inp = {'t': t}
    inp.update(_make_buffers())
    return inp


def reference(t, betas, alphas_bar, sqrt_alphas_bar, sqrt_one_minus_alphas_bar, sqrt_recip_alphas, sigmas):
    # Faithful translation of the scheduler's getter methods:
    # each is a gather from a registered buffer followed by view(-1, 1, 1, 1).
    def _gather(buf):
        return jnp.take(buf, t, axis=0).reshape(-1, 1, 1, 1)
    beta = _gather(betas)                          # get_beta
    sigma = _gather(sigmas)                        # get_sigma
    alpha_bar = _gather(alphas_bar)                # get_alpha_bar
    sqrt_alpha_bar = _gather(sqrt_alphas_bar)      # get_sqrt_alpha_bar
    sqrt_om_alpha_bar = _gather(sqrt_one_minus_alphas_bar)  # get_sqrt_one_minus_alpha_bar
    sqrt_recip_alpha = _gather(sqrt_recip_alphas)  # get_sqrt_recip_alpha
    return jnp.stack([beta, sigma, alpha_bar, sqrt_alpha_bar, sqrt_om_alpha_bar, sqrt_recip_alpha], axis=0)

if __name__ == "__main__":
    import jax
    _d = setup_inputs()
    print(jax.jit(kernel)(*tuple(_d.values())))

</pallas_src>

<mosaic_0001>
#map = affine_map<(d0, d1) -> (0)>
module attributes {stable_mosaic.version = 14 : i64} {
  func.func @_body(%arg0: i32, %arg1: i32, %arg2: memref<16384xi32, #tpu.memory_space<hbm>>, %arg3: memref<1001xf32, #tpu.memory_space<hbm>>, %arg4: memref<1001xf32, #tpu.memory_space<hbm>>, %arg5: memref<1001xf32, #tpu.memory_space<hbm>>, %arg6: memref<1001xf32, #tpu.memory_space<hbm>>, %arg7: memref<1001xf32, #tpu.memory_space<hbm>>, %arg8: memref<1001xf32, #tpu.memory_space<hbm>>, %arg9: memref<98304xf32, #tpu.memory_space<hbm>>, %arg10: memref<4096xi32, #tpu.memory_space<vmem>>, %arg11: memref<1001xf32, #tpu.memory_space<vmem>>, %arg12: memref<4096xf32, #tpu.memory_space<vmem>>, %arg13: memref<!tpu.dma_semaphore, #tpu.memory_space<semaphore_mem>>, %arg14: memref<!tpu.dma_semaphore, #tpu.memory_space<semaphore_mem>>, %arg15: memref<!tpu.dma_semaphore, #tpu.memory_space<semaphore_mem>>) attributes {dimension_semantics = [#tpu.dimension_semantics<core_parallel>, #tpu.dimension_semantics<subcore_parallel>], iteration_bounds = array<i64: 2, 16>, scalar_prefetch = 0 : i64, scratch_operands = 6 : i64, tpu.core_type = #tpu.core_type<sc_vector_subcore>, window_params = [{transform_indices = #map}, {transform_indices = #map}, {transform_indices = #map}, {transform_indices = #map}, {transform_indices = #map}, {transform_indices = #map}, {transform_indices = #map}, {transform_indices = #map}]} {
    %mul3A = arith.constant 2 : i32
    %mul3A_0 = arith.muli %arg1, %mul3A : i32
    %add3A = arith.addi %mul3A_0, %arg0 : i32
    %lt3A = arith.constant 24 : i32
    %lt3A_1 = arith.cmpi slt, %add3A, %lt3A : i32
    %convert_element_type3A = arith.extui %lt3A_1 : i1 to i32
    %cond3A = arith.constant 0 : i32
    %cond3A_2 = arith.cmpi ne, %convert_element_type3A, %cond3A : i32
    scf.if %cond3A_2 {
      %jit3A = arith.constant 4 : i32
      %div3A = arith.divsi %add3A, %jit3A : i32
      %sign3A = arith.constant 0 : i32
      %sign3A_3 = arith.cmpi sgt, %add3A, %sign3A : i32
      %sign3A_4 = arith.extui %sign3A_3 : i1 to i32
      %sign3A_5 = arith.constant 0 : i32
      %sign3A_6 = arith.cmpi slt, %add3A, %sign3A_5 : i32
      %sign3A_7 = arith.extui %sign3A_6 : i1 to i32
      %sign3A_8 = arith.subi %sign3A_4, %sign3A_7 : i32
      %sign3A_9 = arith.constant 0 : i32
      %sign3A_10 = arith.cmpi sgt, %jit3A, %sign3A_9 : i32
      %sign3A_11 = arith.extui %sign3A_10 : i1 to i32
      %sign3A_12 = arith.constant 0 : i32
      %sign3A_13 = arith.cmpi slt, %jit3A, %sign3A_12 : i32
      %sign3A_14 = arith.extui %sign3A_13 : i1 to i32
      %sign3A_15 = arith.subi %sign3A_11, %sign3A_14 : i32
      %ne3A = arith.cmpi ne, %sign3A_8, %sign3A_15 : i32
      %rem3A = arith.remsi %add3A, %jit3A : i32
      %ne3A_16 = arith.constant 0 : i32
      %ne3A_17 = arith.cmpi ne, %rem3A, %ne3A_16 : i32
      %and3A = arith.andi %ne3A, %ne3A_17 : i1
      %sub3A = arith.constant 1 : i32
      %sub3A_18 = arith.subi %div3A, %sub3A : i32
      %select_n3A = arith.select %and3A, %sub3A_18, %div3A : i32
      %jit3A_19 = arith.constant 4 : i32
      %eq3A = arith.constant 0 : i32
      %eq3A_20 = arith.cmpi eq, %jit3A_19, %eq3A : i32
      %jit3A_21 = arith.constant 1 : i32
      %select_n3A_22 = arith.select %eq3A_20, %jit3A_21, %jit3A_19 : i32
      %rem3A_23 = arith.remsi %add3A, %select_n3A_22 : i32
      %ne3A_24 = arith.constant 0 : i32
      %ne3A_25 = arith.cmpi ne, %rem3A_23, %ne3A_24 : i32
      %lt3A_26 = arith.constant 0 : i32
      %lt3A_27 = arith.cmpi slt, %rem3A_23, %lt3A_26 : i32
      %lt3A_28 = arith.constant 0 : i32
      %lt3A_29 = arith.cmpi slt, %select_n3A_22, %lt3A_28 : i32
      %ne3A_30 = arith.xori %lt3A_27, %lt3A_29 : i1
      %and3A_31 = arith.andi %ne3A_30, %ne3A_25 : i1
      %add3A_32 = arith.addi %rem3A_23, %select_n3A_22 : i32
      %select_n3A_33 = arith.select %and3A_31, %add3A_32, %rem3A_23 : i32
      %mul3A_34 = arith.constant 4096 : i32
      %mul3A_35 = arith.muli %select_n3A_33, %mul3A_34 : i32
      %add3A_36 = arith.constant 0 : i32
      %add3A_37 = arith.addi %mul3A_35, %add3A_36 : i32
      %add3A_38 = arith.constant 2048 : i32
      %add3A_39 = arith.addi %mul3A_35, %add3A_38 : i32
      %dma_start3A = arith.constant 0 : i32
      %dma_start3A_40 = tpu.memref_slice %arg10[%dma_start3A] : memref<4096xi32, #tpu.memory_space<vmem>> -> memref<2048xi32, #tpu.memory_space<vmem>>
      %dma_start3A_41 = tpu.memref_slice %arg2[%add3A_37] : memref<16384xi32, #tpu.memory_space<hbm>> -> memref<2048xi32, #tpu.memory_space<hbm>>
      %dma_start3A_42 = arith.constant 0 : i32
      %dma_start3A_43 = tpu.memref_slice %arg10[%dma_start3A_42] : memref<4096xi32, #tpu.memory_space<vmem>> -> memref<2048xi32, #tpu.memory_space<vmem>>
      %dma_start3A_44 = tpu.memref_slice %arg2[%add3A_37] : memref<16384xi32, #tpu.memory_space<hbm>> -> memref<2048xi32, #tpu.memory_space<hbm>>
      tpu.enqueue_dma source(%dma_start3A_44 : memref<2048xi32, #tpu.memory_space<hbm>>) target(%dma_start3A_43 : memref<2048xi32, #tpu.memory_space<vmem>>) target_semaphore(%arg13 : memref<!tpu.dma_semaphore, #tpu.memory_space<semaphore_mem>>)
      %dma_start3A_45 = arith.constant 2048 : i32
      %dma_start3A_46 = tpu.memref_slice %arg10[%dma_start3A_45] : memref<4096xi32, #tpu.memory_space<vmem>> -> memref<2048xi32, #tpu.memory_space<vmem>>
      %dma_start3A_47 = tpu.memref_slice %arg2[%add3A_39] : memref<16384xi32, #tpu.memory_space<hbm>> -> memref<2048xi32, #tpu.memory_space<hbm>>
      %dma_start3A_48 = arith.constant 2048 : i32
      %dma_start3A_49 = tpu.memref_slice %arg10[%dma_start3A_48] : memref<4096xi32, #tpu.memory_space<vmem>> -> memref<2048xi32, #tpu.memory_space<vmem>>
      %dma_start3A_50 = tpu.memref_slice %arg2[%add3A_39] : memref<16384xi32, #tpu.memory_space<hbm>> -> memref<2048xi32, #tpu.memory_space<hbm>>
      tpu.enqueue_dma source(%dma_start3A_50 : memref<2048xi32, #tpu.memory_space<hbm>>) target(%dma_start3A_49 : memref<2048xi32, #tpu.memory_space<vmem>>) target_semaphore(%arg13 : memref<!tpu.dma_semaphore, #tpu.memory_space<semaphore_mem>>)
      %eq3A_51 = arith.constant 0 : i32
      %eq3A_52 = arith.cmpi eq, %select_n3A, %eq3A_51 : i32
      %convert_element_type3A_53 = arith.extui %eq3A_52 : i1 to i32
      %cond3A_54 = arith.constant 0 : i32
      %cond3A_55 = arith.cmpi ne, %convert_element_type3A_53, %cond3A_54 : i32
      scf.if %cond3A_55 {
        tpu.enqueue_dma source(%arg3 : memref<1001xf32, #tpu.memory_space<hbm>>) target(%arg11 : memref<1001xf32, #tpu.memory_space<vmem>>) target_semaphore(%arg14 : memref<!tpu.dma_semaphore, #tpu.memory_space<semaphore_mem>>)
      } else {
      }
      %eq3A_56 = arith.constant 1 : i32
      %eq3A_57 = arith.cmpi eq, %select_n3A, %eq3A_56 : i32
      %convert_element_type3A_58 = arith.extui %eq3A_57 : i1 to i32
      %cond3A_59 = arith.constant 0 : i32
      %cond3A_60 = arith.cmpi ne, %convert_element_type3A_58, %cond3A_59 : i32
      scf.if %cond3A_60 {
        tpu.enqueue_dma source(%arg8 : memref<1001xf32, #tpu.memory_space<hbm>>) target(%arg11 : memref<1001xf32, #tpu.memory_space<vmem>>) target_semaphore(%arg14 : memref<!tpu.dma_semaphore, #tpu.memory_space<semaphore_mem>>)
      } else {
      }
      %eq3A_61 = arith.constant 2 : i32
      %eq3A_62 = arith.cmpi eq, %select_n3A, %eq3A_61 : i32
      %convert_element_type3A_63 = arith.extui %eq3A_62 : i1 to i32
      %cond3A_64 = arith.constant 0 : i32
      %cond3A_65 = arith.cmpi ne, %convert_element_type3A_63, %cond3A_64 : i32
      scf.if %cond3A_65 {
        tpu.enqueue_dma source(%arg4 : memref<1001xf32, #tpu.memory_space<hbm>>) target(%arg11 : memref<1001xf32, #tpu.memory_space<vmem>>) target_semaphore(%arg14 : memref<!tpu.dma_semaphore, #tpu.memory_space<semaphore_mem>>)
      } else {
      }
      %eq3A_66 = arith.constant 3 : i32
      %eq3A_67 = arith.cmpi eq, %select_n3A, %eq3A_66 : i32
      %convert_element_type3A_68 = arith.extui %eq3A_67 : i1 to i32
      %cond3A_69 = arith.constant 0 : i32
      %cond3A_70 = arith.cmpi ne, %convert_element_type3A_68, %cond3A_69 : i32
      scf.if %cond3A_70 {
        tpu.enqueue_dma source(%arg5 : memref<1001xf32, #tpu.memory_space<hbm>>) target(%arg11 : memref<1001xf32, #tpu.memory_space<vmem>>) target_semaphore(%arg14 : memref<!tpu.dma_semaphore, #tpu.memory_space<semaphore_mem>>)
      } else {
      }
      %eq3A_71 = arith.constant 4 : i32
      %eq3A_72 = arith.cmpi eq, %select_n3A, %eq3A_71 : i32
      %convert_element_type3A_73 = arith.extui %eq3A_72 : i1 to i32
      %cond3A_74 = arith.constant 0 : i32
      %cond3A_75 = arith.cmpi ne, %convert_element_type3A_73, %cond3A_74 : i32
      scf.if %cond3A_75 {
        tpu.enqueue_dma source(%arg6 : memref<1001xf32, #tpu.memory_space<hbm>>) target(%arg11 : memref<1001xf32, #tpu.memory_space<vmem>>) target_semaphore(%arg14 : memref<!tpu.dma_semaphore, #tpu.memory_space<semaphore_mem>>)
      } else {
      }
      %eq3A_76 = arith.constant 5 : i32
      %eq3A_77 = arith.cmpi eq, %select_n3A, %eq3A_76 : i32
      %convert_element_type3A_78 = arith.extui %eq3A_77 : i1 to i32
      %cond3A_79 = arith.constant 0 : i32
      %cond3A_80 = arith.cmpi ne, %convert_element_type3A_78, %cond3A_79 : i32
      scf.if %cond3A_80 {
        tpu.enqueue_dma source(%arg7 : memref<1001xf32, #tpu.memory_space<hbm>>) target(%arg11 : memref<1001xf32, #tpu.memory_space<vmem>>) target_semaphore(%arg14 : memref<!tpu.dma_semaphore, #tpu.memory_space<semaphore_mem>>)
      } else {
      }
      tpu.wait_dma2 semaphore(%arg14 : memref<!tpu.dma_semaphore, #tpu.memory_space<semaphore_mem>>) src(%arg3 : memref<1001xf32, #tpu.memory_space<hbm>>) dst(%arg11 : memref<1001xf32, #tpu.memory_space<vmem>>)
      %mul3A_81 = arith.constant 16384 : i32
      %mul3A_82 = arith.muli %select_n3A, %mul3A_81 : i32
      %add3A_83 = arith.addi %mul3A_82, %mul3A_35 : i32
      %add3A_84 = arith.constant 0 : i32
      %add3A_85 = arith.addi %add3A_83, %add3A_84 : i32
      %mul3A_86 = arith.constant 16384 : i32
      %mul3A_87 = arith.muli %select_n3A, %mul3A_86 : i32
      %add3A_88 = arith.addi %mul3A_87, %mul3A_35 : i32
      %add3A_89 = arith.constant 2048 : i32
      %add3A_90 = arith.addi %add3A_88, %add3A_89 : i32
      %dma_wait3A = arith.constant 0 : i32
      %dma_wait3A_91 = tpu.memref_slice %arg10[%dma_wait3A] : memref<4096xi32, #tpu.memory_space<vmem>> -> memref<2048xi32, #tpu.memory_space<vmem>>
      %dma_wait3A_92 = tpu.memref_slice %arg2[%add3A_37] : memref<16384xi32, #tpu.memory_space<hbm>> -> memref<2048xi32, #tpu.memory_space<hbm>>
      %dma_wait3A_93 = arith.constant 0 : i32
      %dma_wait3A_94 = tpu.memref_slice %arg10[%dma_wait3A_93] : memref<4096xi32, #tpu.memory_space<vmem>> -> memref<2048xi32, #tpu.memory_space<vmem>>
      %dma_wait3A_95 = tpu.memref_slice %arg2[%add3A_37] : memref<16384xi32, #tpu.memory_space<hbm>> -> memref<2048xi32, #tpu.memory_space<hbm>>
      tpu.wait_dma2 semaphore(%arg13 : memref<!tpu.dma_semaphore, #tpu.memory_space<semaphore_mem>>) src(%dma_wait3A_95 : memref<2048xi32, #tpu.memory_space<hbm>>) dst(%dma_wait3A_94 : memref<2048xi32, #tpu.memory_space<vmem>>)
      %parallel_loop3A = arith.constant 0 : i32
      %parallel_loop3A_96 = arith.constant 128 : i32
      %parallel_loop3A_97 = arith.constant 1 : i32
      scf.for %parallel_loop3A_131 = %parallel_loop3A to %parallel_loop3A_96 step %parallel_loop3A_97  : i32 {
        %parallel_loop3A_132 = arith.constant 16 : i32
        %parallel_loop3A_133 = arith.muli %parallel_loop3A_131, %parallel_loop3A_132 : i32
        %parallel_loop3A_134 = arith.index_cast %parallel_loop3A_133 : i32 to index
        %parallel_loop3A_135 = tpu.vector_load %arg10[%parallel_loop3A_134] {strides = array<i32>} : memref<4096xi32, #tpu.memory_space<vmem>>, vector<16xi32>,
        %parallel_loop3A_136 = tpu.vector_load_idx %arg11[%parallel_loop3A_135] : memref<1001xf32, #tpu.memory_space<vmem>>[vector<16xi32>], vector<16xf32>,
        %parallel_loop3A_137 = arith.constant 16 : i32
        %parallel_loop3A_138 = arith.muli %parallel_loop3A_131, %parallel_loop3A_137 : i32
        %parallel_loop3A_139 = arith.index_cast %parallel_loop3A_138 : i32 to index
        %parallel_loop3A_140 = tpu.vector_load %arg12[%parallel_loop3A_139] {strides = array<i32>} : memref<4096xf32, #tpu.memory_space<vmem>>, vector<16xf32>,
        tpu.vector_store %arg12[%parallel_loop3A_139], %parallel_loop3A_136 {strides = array<i32>} : memref<4096xf32, #tpu.memory_space<vmem>>, vector<16xf32>,
      } {sc.loop_unroll_factor = 4 : i64, sc.parallel_access}
      %dma_start3A_98 = arith.constant 0 : i32
      %dma_start3A_99 = tpu.memref_slice %arg12[%dma_start3A_98] : memref<4096xf32, #tpu.memory_space<vmem>> -> memref<2048xf32, #tpu.memory_space<vmem>>
      %dma_start3A_100 = tpu.memref_slice %arg9[%add3A_85] : memref<98304xf32, #tpu.memory_space<hbm>> -> memref<2048xf32, #tpu.memory_space<hbm>>
      %dma_start3A_101 = tpu.memref_slice %arg9[%add3A_85] : memref<98304xf32, #tpu.memory_space<hbm>> -> memref<2048xf32, #tpu.memory_space<hbm>>
      %dma_start3A_102 = arith.constant 0 : i32
      %dma_start3A_103 = tpu.memref_slice %arg12[%dma_start3A_102] : memref<4096xf32, #tpu.memory_space<vmem>> -> memref<2048xf32, #tpu.memory_space<vmem>>
      tpu.enqueue_dma source(%dma_start3A_103 : memref<2048xf32, #tpu.memory_space<vmem>>) target(%dma_start3A_101 : memref<2048xf32, #tpu.memory_space<hbm>>) target_semaphore(%arg15 : memref<!tpu.dma_semaphore, #tpu.memory_space<semaphore_mem>>)
      %dma_wait3A_104 = arith.constant 2048 : i32
      %dma_wait3A_105 = tpu.memref_slice %arg10[%dma_wait3A_104] : memref<4096xi32, #tpu.memory_space<vmem>> -> memref<2048xi32, #tpu.memory_space<vmem>>
      %dma_wait3A_106 = tpu.memref_slice %arg2[%add3A_39] : memref<16384xi32, #tpu.memory_space<hbm>> -> memref<2048xi32, #tpu.memory_space<hbm>>
      %dma_wait3A_107 = arith.constant 2048 : i32
      %dma_wait3A_108 = tpu.memref_slice %arg10[%dma_wait3A_107] : memref<4096xi32, #tpu.memory_space<vmem>> -> memref<2048xi32, #tpu.memory_space<vmem>>
      %dma_wait3A_109 = tpu.memref_slice %arg2[%add3A_39] : memref<16384xi32, #tpu.memory_space<hbm>> -> memref<2048xi32, #tpu.memory_space<hbm>>
      tpu.wait_dma2 semaphore(%arg13 : memref<!tpu.dma_semaphore, #tpu.memory_space<semaphore_mem>>) src(%dma_wait3A_109 : memref<2048xi32, #tpu.memory_space<hbm>>) dst(%dma_wait3A_108 : memref<2048xi32, #tpu.memory_space<vmem>>)
      %parallel_loop3A_110 = arith.constant 128 : i32
      %parallel_loop3A_111 = arith.constant 256 : i32
      %parallel_loop3A_112 = arith.constant 1 : i32
      scf.for %parallel_loop3A_131 = %parallel_loop3A_110 to %parallel_loop3A_111 step %parallel_loop3A_112  : i32 {
        %parallel_loop3A_132 = arith.constant 16 : i32
        %parallel_loop3A_133 = arith.muli %parallel_loop3A_131, %parallel_loop3A_132 : i32
        %parallel_loop3A_134 = arith.index_cast %parallel_loop3A_133 : i32 to index
        %parallel_loop3A_135 = tpu.vector_load %arg10[%parallel_loop3A_134] {strides = array<i32>} : memref<4096xi32, #tpu.memory_space<vmem>>, vector<16xi32>,
        %parallel_loop3A_136 = tpu.vector_load_idx %arg11[%parallel_loop3A_135] : memref<1001xf32, #tpu.memory_space<vmem>>[vector<16xi32>], vector<16xf32>,
        %parallel_loop3A_137 = arith.constant 16 : i32
        %parallel_loop3A_138 = arith.muli %parallel_loop3A_131, %parallel_loop3A_137 : i32
        %parallel_loop3A_139 = arith.index_cast %parallel_loop3A_138 : i32 to index
        %parallel_loop3A_140 = tpu.vector_load %arg12[%parallel_loop3A_139] {strides = array<i32>} : memref<4096xf32, #tpu.memory_space<vmem>>, vector<16xf32>,
        tpu.vector_store %arg12[%parallel_loop3A_139], %parallel_loop3A_136 {strides = array<i32>} : memref<4096xf32, #tpu.memory_space<vmem>>, vector<16xf32>,
      } {sc.loop_unroll_factor = 4 : i64, sc.parallel_access}
      %dma_start3A_113 = arith.constant 2048 : i32
      %dma_start3A_114 = tpu.memref_slice %arg12[%dma_start3A_113] : memref<4096xf32, #tpu.memory_space<vmem>> -> memref<2048xf32, #tpu.memory_space<vmem>>
      %dma_start3A_115 = tpu.memref_slice %arg9[%add3A_90] : memref<98304xf32, #tpu.memory_space<hbm>> -> memref<2048xf32, #tpu.memory_space<hbm>>
      %dma_start3A_116 = tpu.memref_slice %arg9[%add3A_90] : memref<98304xf32, #tpu.memory_space<hbm>> -> memref<2048xf32, #tpu.memory_space<hbm>>
      %dma_start3A_117 = arith.constant 2048 : i32
      %dma_start3A_118 = tpu.memref_slice %arg12[%dma_start3A_117] : memref<4096xf32, #tpu.memory_space<vmem>> -> memref<2048xf32, #tpu.memory_space<vmem>>
      tpu.enqueue_dma source(%dma_start3A_118 : memref<2048xf32, #tpu.memory_space<vmem>>) target(%dma_start3A_116 : memref<2048xf32, #tpu.memory_space<hbm>>) target_semaphore(%arg15 : memref<!tpu.dma_semaphore, #tpu.memory_space<semaphore_mem>>)
      %dma_wait3A_119 = arith.constant 0 : i32
      %dma_wait3A_120 = tpu.memref_slice %arg12[%dma_wait3A_119] : memref<4096xf32, #tpu.memory_space<vmem>> -> memref<2048xf32, #tpu.memory_space<vmem>>
      %dma_wait3A_121 = tpu.memref_slice %arg9[%add3A_85] : memref<98304xf32, #tpu.memory_space<hbm>> -> memref<2048xf32, #tpu.memory_space<hbm>>
      %dma_wait3A_122 = tpu.memref_slice %arg9[%add3A_85] : memref<98304xf32, #tpu.memory_space<hbm>> -> memref<2048xf32, #tpu.memory_space<hbm>>
      %dma_wait3A_123 = arith.constant 0 : i32
      %dma_wait3A_124 = tpu.memref_slice %arg12[%dma_wait3A_123] : memref<4096xf32, #tpu.memory_space<vmem>> -> memref<2048xf32, #tpu.memory_space<vmem>>
      tpu.wait_dma2 semaphore(%arg15 : memref<!tpu.dma_semaphore, #tpu.memory_space<semaphore_mem>>) src(%dma_wait3A_124 : memref<2048xf32, #tpu.memory_space<vmem>>) dst(%dma_wait3A_122 : memref<2048xf32, #tpu.memory_space<hbm>>)
      %dma_wait3A_125 = arith.constant 2048 : i32
      %dma_wait3A_126 = tpu.memref_slice %arg12[%dma_wait3A_125] : memref<4096xf32, #tpu.memory_space<vmem>> -> memref<2048xf32, #tpu.memory_space<vmem>>
      %dma_wait3A_127 = tpu.memref_slice %arg9[%add3A_90] : memref<98304xf32, #tpu.memory_space<hbm>> -> memref<2048xf32, #tpu.memory_space<hbm>>
      %dma_wait3A_128 = tpu.memref_slice %arg9[%add3A_90] : memref<98304xf32, #tpu.memory_space<hbm>> -> memref<2048xf32, #tpu.memory_space<hbm>>
      %dma_wait3A_129 = arith.constant 2048 : i32
      %dma_wait3A_130 = tpu.memref_slice %arg12[%dma_wait3A_129] : memref<4096xf32, #tpu.memory_space<vmem>> -> memref<2048xf32, #tpu.memory_space<vmem>>
      tpu.wait_dma2 semaphore(%arg15 : memref<!tpu.dma_semaphore, #tpu.memory_space<semaphore_mem>>) src(%dma_wait3A_130 : memref<2048xf32, #tpu.memory_space<vmem>>) dst(%dma_wait3A_128 : memref<2048xf32, #tpu.memory_space<hbm>>)
    } else {
    }
    return
  }
}

</mosaic_0001>

<sc_bundles>
// kernel: kernel.3.cloned.1.call-start
scs
__scs_entry_jumppad:
0x0: {  	(pc) =	sbr.rel $0x88, $3  }
0x1: {  	(tag) =	ssettag $0x0;
	lr =	simm.s32 $0x1  }
0x2: {  	[smem:$0x3F9A] =	sst lr;
	_ =	strace $0xD0000000  }
0x3: {  	_ = 	snop  }
0x4: {  	_ = 	snop  }
0x5: {  	_ = 	snop  }
0x6: {  	_ = 	snop  }
0x7: {  	_ = 	snop  }
__scs_overlays_trampoline_lowered:
0x8: {  	[smem:$0x3FA9] =	sst s0  }
0x9: {  	[smem:$0x3FAA] =	sst s1  }
0xa: {  	[smem:$0x3FAB] =	sst s2  }
0xb: {  	[smem:$0x3FAC] =	sst s3  }
0xc: {  	[smem:$0x3FAD] =	sst s4  }
0xd: {  	[smem:$0x3FAE] =	sst s5  }
0xe: {  	[smem:$0x3FAF] =	sst s6  }
0xf: {  	[smem:$0x3FB0] =	sst s7  }
0x10: {  	[smem:$0x3FB1] =	sst s8  }
0x11: {  	[smem:$0x3FB2] =	sst s9;
	s0 =	simm.s32 @!p0 $0x0  }
0x12: {  	s1 =	sld [smem:$0x3F98];
	s0 =	simm.s32 @p0 $0x1  }
0x13: {  	[smem:$0x3FB3] =	sst s0;
	s0 =	simm.s32 @!p1 $0x0  }
0x14: {  	s2 =	sld [smem:$0x3F97];
	s0 =	simm.s32 @p1 $0x1  }
0x15: {  	[smem:$0x3FB4] =	sst s0;
	s0 =	simm.s32 @!p2 $0x0  }
0x16: {  	s3 =	sld [smem:$0x3FDB];
	s0 =	simm.s32 @p2 $0x1  }
0x17: {  	s4 =	simm.s32 $0x1BF5;
	[smem:$0x3FB6] =	sst s0  }
0x18: {  	s0 =	sld [smem:$0x3F99];
	_ =	swait.ge [sflag:s4], $0x0  }
0x19: {  	s7 =	sld [smem:$0x3F9A]  }
0x1a: {  	s8 =	sadd.s32 $0xFFFFE003, lr  }
0x1b: {  	s9 =	sadd.s32 $0xFFFFFEF7, lr;
	s5 =	simm.s32 $0xFFFFFFFF;
	p2 =	slt.u32 s8, $0xFFFFF086  }
0x1c: {  	p1 =	slt.u32 s9, $0xF7A;
	s5 =	simm.s32 @!p2 $0x0  }
0x1d: {  	s5 =	simm.s32 @p1 $0x1;
	p0 =	seq.s32 s7, s2  }
0x1e: {  	s7 =	smul.u32 @!p0 $0xF7A, s2;
	p2 =	seq.s32 @!p0 s5, $0x0  }
0x1f: {  	s9 =	smul.u32 $0xF7A, s1;
	s8 =	simm.s32 @!p0 $0x1BF5;
	p2 =	por !p2, p0  }
0x20: {  	[sflag:s8] =	ssyncset.s32 @!p0 $0xFFFFF086;
	s6 =	sadd.s32 @!p0 s3, s7;
	s7 =	simm.s32 @!p0 $0x108  }
0x21: {  	s3 =	sadd.s32 s3, s9;
	s6 =	sadd.s32 @!p0 $0x88, s6;
	s7 =	simm.s32 @p2 $0x1082  }
0x22: {  	[simem:s7], [sflag:s8] =	dma.local @!p0 [hbm:s6], $0xF7A  }
0x23: {  	s9 =	sor.u32 $0xD0000000, s2;
	s6 =	simm.s32 $0x108;
	_ =	swait.ge @!p0 [sflag:s8], $0x0  }
0x24: {  	s3 =	sadd.s32 $0x88, s3;
	s6 =	simm.s32 @!p1 $0x1082;
	[sflag:s4] =	ssyncset.s32 $0xFFFFF086  }
0x25: {  	[simem:s6], [sflag:s4] =	dma.local [hbm:s3], $0xF7A  }
0x26: {  	[smem:$0x3F9A] =	sst s1;
	(tag) =	ssettag s2;
	_ =	strace s9  }
0x27: {  	s1 =	sld [smem:$0x3FAA]  }
0x28: {  	s2 =	sld [smem:$0x3FAB]  }
0x29: {  	s4 =	sld [smem:$0x3FAD]  }
0x2a: {  	p0 =	seq.s32 s5, $0x0;
	s5 =	sld [smem:$0x3FAE]  }
0x2b: {  	s6 =	sld [smem:$0x3FAF]  }
0x2c: {  	s7 =	sld [smem:$0x3FB0]  }
0x2d: {  	s3 =	simm.s32 $0x108;
	s8 =	sld [smem:$0x3FB1]  }
0x2e: {  	s3 =	simm.s32 @!p0 $0x1082;
	s9 =	sld [smem:$0x3FB2]  }
0x2f: {  	lr =	sadd.s32 s0, s3;
	s0 =	sld [smem:$0x3FA9]  }
0x30: {  	s3 =	sld [smem:$0x3FAC]  }
0x31: {  	[smem:$0x3FB5] =	sst s10  }
0x32: {  	s10 =	sld [smem:$0x3FB3];
	_ =	sdelay $0x3  }
0x33: {  	p0 =	seq.s32 s10, $0x1;
	s10 =	sld [smem:$0x3FB5];
	_ =	sdelay $0x3  }
0x34: {  	[smem:$0x3FB5] =	sst s10  }
0x35: {  	s10 =	sld [smem:$0x3FB4];
	_ =	sdelay $0x3  }
0x36: {  	p1 =	seq.s32 s10, $0x1;
	s10 =	sld [smem:$0x3FB5];
	_ =	sdelay $0x3  }
0x37: {  	[smem:$0x3FB5] =	sst s10  }
0x38: {  	s10 =	sld [smem:$0x3FB6]  }
0x39: {  	_ = 	snop;
	(pc) =	sbr.ind lr, $3  }
0x3a: {  	_ = 	snop  }
0x3b: {  	_ = 	snop  }
0x3c: {  	p2 =	seq.s32 s10, $0x1;
	s10 =	sld [smem:$0x3FB5]  }
0x3d: {  	_ =	shalt  }
0x3e: {  	_ =	shalt  }
0x3f: {  	_ =	shalt  }
0x40: {  	_ =	shalt  }
0x41: {  	_ =	shalt  }
0x42: {  	_ =	shalt  }
0x43: {  	_ =	shalt  }
0x44: {  	_ =	shalt  }
0x45: {  	_ =	shalt  }
0x46: {  	_ =	shalt  }
0x47: {  	_ =	shalt  }
0x48: {  	_ =	shalt  }
0x49: {  	_ =	shalt  }
0x4a: {  	_ =	shalt  }
0x4b: {  	_ =	shalt  }
0x4c: {  	_ =	shalt  }
0x4d: {  	_ =	shalt  }
0x4e: {  	_ =	shalt  }
0x4f: {  	_ =	shalt  }
0x50: {  	_ =	shalt  }
0x51: {  	_ =	shalt  }
0x52: {  	_ =	shalt  }
0x53: {  	_ =	shalt  }
0x54: {  	_ =	shalt  }
0x55: {  	_ =	shalt  }
0x56: {  	_ =	shalt  }
0x57: {  	_ =	shalt  }
0x58: {  	_ =	shalt  }
0x59: {  	_ =	shalt  }
0x5a: {  	_ =	shalt  }
0x5b: {  	_ =	shalt  }
0x5c: {  	_ =	shalt  }
0x5d: {  	_ =	shalt  }
0x5e: {  	_ =	shalt  }
0x5f: {  	_ =	shalt  }
0x60: {  	_ =	shalt  }
0x61: {  	_ =	shalt  }
0x62: {  	_ =	shalt  }
0x63: {  	_ =	shalt  }
0x64: {  	_ =	shalt  }
0x65: {  	_ =	shalt  }
0x66: {  	_ =	shalt  }
0x67: {  	_ =	shalt  }
0x68: {  	_ =	shalt  }
0x69: {  	_ =	shalt  }
0x6a: {  	_ =	shalt  }
0x6b: {  	_ =	shalt  }
0x6c: {  	_ =	shalt  }
0x6d: {  	_ =	shalt  }
0x6e: {  	_ =	shalt  }
0x6f: {  	_ =	shalt  }
0x70: {  	_ =	shalt  }
0x71: {  	_ =	shalt  }
0x72: {  	_ =	shalt  }
0x73: {  	_ =	shalt  }
0x74: {  	_ =	shalt  }
0x75: {  	_ =	shalt  }
0x76: {  	_ =	shalt  }
0x77: {  	_ =	shalt  }
0x78: {  	_ =	shalt  }
0x79: {  	_ =	shalt  }
0x7a: {  	_ =	shalt  }
0x7b: {  	_ =	shalt  }
0x7c: {  	_ =	shalt  }
0x7d: {  	_ =	shalt  }
0x7e: {  	_ =	shalt  }
0x7f: {  	_ =	shalt  }
0x80: {  	_ =	shalt  }
0x81: {  	_ =	shalt  }
0x82: {  	_ =	shalt  }
0x83: {  	_ =	shalt  }
0x84: {  	_ =	shalt  }
0x85: {  	_ =	shalt  }
0x86: {  	_ =	shalt  }
0x87: {  	_ =	shalt  }
.Lfunc_end0:
.L_simem_size_0:
called_computation_lowered:
.L_overlay_start_0:
0x88: {  	s2 =	sld [smem:$0x3FD9]  }
0x89: {  	s3 =	sld [smem:$0x3FFE];
	_ =	sdelay $0x1  }
0x8a: {  	s1 =	srdreg.scid  }
0x8b: {  	s0 =	sand.u32 $0x1, s1  }
0x8c: {  	s18 =	sshll.u32 s0, $0xA;
	s2 =	sadd.s32 s3, s2  }
0x8d: {  	s2 =	sadd.s32 s2, s18  }
0x8e: {  	[smem:$0x3FC1] =	sst s2  }
0x8f: {  	_ = 	snop  }
0x90: {  	s2 =	sld [smem:$0x3FC9]  }
0x91: {  	s19 =	sld [smem:$0x3FC8]  }
0x92: {  	s4 =	sld [smem:$0x3FC7]  }
0x93: {  	s5 =	sld [smem:$0x3FC6]  }
0x94: {  	s6 =	sld [smem:$0x3FC5]  }
0x95: {  	s7 =	sld [smem:$0x3FC4]  }
0x96: {  	s8 =	sld [smem:$0x3FC3]  }
0x97: {  	s9 =	sld [smem:$0x3FD0];
	(tm) =	ssettm $0x1  }
0x98: {  	s10 =	sld [smem:$0x3FFB];
	_ =	sdelay $0x3  }
0x99: {  	_ =	strace s10  }
0x9a: {  	s10 =	sld [smem:$0x3FFC];
	_ =	sdelay $0x3  }
0x9b: {  	_ =	strace s10  }
0x9c: {  	s10 =	sld [smem:$0x3FFD];
	_ =	sdelay $0x3  }
0x9d: {  	_ =	strace s10  }
0x9e: {  	_ =	strace $0x8FFFFFFF  }
0x9f: {  	s20 =	sld [smem:$0x3FDB];
	_ =	sdelay $0x1  }
0xa0: {  	s11 =	simm.s32 $_scs_section_size  }
0xa1: {  	s12 =	simm.s32 $_size__tile_overlayer_lowered;
	s13 =	simm.s32 $_tile_overlayer_lowered  }
0xa2: {  	s23 =	simm.s32 $0x1BFF;
	s22 =	sshll.u32 s13, $0x1;
	s10 =	sadd.s32 s11, s20  }
0xa3: {  	s14 =	simm.s32 $0x0;
	s21 =	sshll.u32 s12, $0x1;
	s12 =	sadd.s32 s22, s10  }
0xa4: {  	[timem:s14], [sflag:s23] =	dma.local [hbm:s12], s21  }
0xa5: {  	_ =	swait.ge [sflag:s23], s21  }
0xa6: {  	s11 =	ssub.s32 $0x0, s21;
	[sflag:s23] =	ssyncset.done $0x0  }
0xa7: {  	[sflag:s23] =	ssyncadd.s32 s11;
	_ =	sdelay $0x1  }
0xa8: {  	s24 =	simm.s32 $0x1B8B  }
0xa9: {  	_ =	swait.ge [sflag:s24], $0x1  }
0xaa: {  	[sflag:s24] =	ssyncset.done $0x0  }
0xab: {  	s25 =	simm.s32 $0x1B8E;
	[sflag:s24] =	ssyncadd.s32 $0xFFFFFFFF  }
0xac: {  	s26 =	simm.s32 $execute0_lowered;
	[smem:$0x3FD2] =	sst s25  }
0xad: {  	s11 =	sshll.u32 s26, $0x1;
	_ =	strace $0x80000046;
	[dreg:$0x1] =	wrdreg $0xFFFFFFFF  }
0xae: {  	s28 =	simm.s32 $_size_execute0_lowered;
	s10 =	sadd.s32 s10, s11;
	[dreg:$0x0] =	wrdreg $0x0  }
0xaf: {  	s11 =	sshll.u32 s28, $0x1;
	[dreg:$0x2] =	wrdreg s10  }
0xb0: {  	[dreg:$0x3] =	wrdreg s11  }
0xb1: {  	[dreg:$0x4] =	wrdreg $0xC0  }
0xb2: {  	_ =	task [dreg:s14], $0x5FFFF  }
0xb3: {  	[dreg:$0x1] =	wrdreg $0xFFFFFFFF  }
0xb4: {  	[dreg:$0x0] =	wrdreg $0x60  }
0xb5: {  	[dreg:$0x2] =	wrdreg s2  }
0xb6: {  	[dreg:$0x3] =	wrdreg s19  }
0xb7: {  	[dreg:$0x4] =	wrdreg s4  }
0xb8: {  	[dreg:$0x5] =	wrdreg s5  }
0xb9: {  	[dreg:$0x6] =	wrdreg s6  }
0xba: {  	[dreg:$0x7] =	wrdreg s7  }
0xbb: {  	[dreg:$0x8] =	wrdreg s8  }
0xbc: {  	[dreg:$0x9] =	wrdreg s9  }
0xbd: {  	[dreg:$0xa] =	wrdreg $0x9  }
0xbe: {  	_ =	task.clear_ibuf [dreg:s14], $0xBFFFF;
	_ =	strace $0x90000046  }
0xbf: {  	s29 =	simm.s32 $0x9;
	_ =	strace $0x80000048  }
0xc0: {  	_ =	swait.ge [sflag:s29], $0x1  }
0xc1: {  	[sflag:s29] =	ssyncadd.s32 $0xFFFFFFFF  }
0xc2: {  	_ =	strace $0x90000048  }
0xc3: {  	_ =	sfence  }
0xc4: {  	s30 =	sld [smem:$0x0];
	_ =	sdelay $0x2  }
0xc5: {  	s31 =	sshll.u32 s1, $0xD;
	s1 =	sshrl.u32 s1, $0x2  }
0xc6: {  	s3 =	sand.u32 $0x4000, s31;
	s1 =	sadd.s32 s1, s30  }
0xc7: {  	s0 =	sor.u32 s3, s0;
	s1 =	sshll.u32 s1, $0x11  }
0xc8: {  	s0 =	sor.u32 s1, s0  }
0xc9: {  	s0 =	sadd.s32 $0x8F2B, s0  }
0xca: {  	[sflag:s0] =	ssyncadd.remote.s32 $0x1  }
0xcb: {  	_ =	sfence.sel $0xFFFF  }
0xcc: {  	[dreg:$0x0] =	wrdreg $0xFFFFFFFF;
	(pc) =	sbr.abs _section_cstart, $3  }
0xcd: {  	[dreg:$0x1] =	wrdreg $0xFFFFFFFF  }
0xce: {  	_ =	task.clear_ibuf [dreg:s14], $0x2FFFF;
	_ =	strace $0x9FFFFFFF  }
0xcf: {  	(tm) =	ssettm $0x7FFFFFFF  }
tec
execute0_lowered:
.L_overlay_start_1:
0x0: {  	(tag) =	ssettag $0x1  }
0x1: {  	s6 =	rddreg [dreg:$0x0]  }
0x2: {  	s0 =	rddreg [dreg:$0x1]  }
0x3: {  	s9 =	rddreg [dreg:$0x2]  }
0x4: {  	s10 =	rddreg [dreg:$0x3];
	s2 =	stileid.u32  }
0x5: {  	s7 =	rddreg [dreg:$0x4];
	p0 =	sgt.u32 s2, $0xB  }
.Ltmp0:
0x6: {  	s11 =	rddreg [dreg:$0x5];
	(pc) =	sbr.rel @p0 .LBB2_7-.Ltmp0, $4  }
0x7: {  	s4 =	rddreg [dreg:$0x6]  }
0x8: {  	s5 =	rddreg [dreg:$0x7];
	s3 =	simm.s32 $0x0  }
0x9: {  	[smem:$0x7FF] =	sst s3  }
0xa: {  	s1 =	rddreg [dreg:$0x8];
	_ =	strace $0x80000047  }
0xb: {  	s8 =	sshrl.u32 s2, $0x1  }
0xc: {  	s12 =	srdreg.scid;
	s13 =	sshll.u32 s2, $0x1;
	p0 =	sgt.s32 s8, $0x2  }
0xd: {  	s14 =	simm.s32 $0x1C00;
	s15 =	simm.s32 $0x3;
	p1 =	seq.s32 @p0 s8, $0x3  }
0xe: {  	s12 =	sand.u32 $0x1, s12;
	s13 =	sand.u32 $0x2, s13;
	p2 =	por p1, !p0  }
0xf: {  	s16 =	simm.s32 $0x0;
	s30 =	sor.u32 s12, s13;
	p2 =	seq.s32 @!p2 s8, $0x4  }
0x10: {  	s12 =	ssub.s32 $0x2, s12;
	s13 =	simm.s32 $0x1400;
	p3 =	por @p0 !p2, p1  }
0x11: {  	s31 =	sshrl.u32 s12, $0x1;
	p2 =	seq.s32 @!p0 s8, $0x0;
	p3 =	por !p3, !p0  }
0x12: {  	p1 =	por !p1, !p0;
	p4 =	por p2, p0;
	s11 =	smov.u32 @p3 s7  }
0x13: {  	p3 =	seq.s32 @!p4 s8, $0x1;
	s7 =	sshll.u32 s30, $0x9;
	s8 =	sshll.u32 s8, $0xB  }
0x14: {  	p3 =	por @!p0 !p3, p2;
	s8 =	sor.u32 s8, s7;
	s6 =	sadd.s32 s6, s7  }
0x15: {  	p2 =	por !p2, p0;
	s10 =	smov.u32 @p1 s11;
	p3 =	por !p3, p0  }
0x16: {  	s11 =	simm.s32 $0x2;
	s7 =	sadd.s32 $0x100, s6;
	s9 =	smov.u32 @p3 s4  }
0x17: {  	s4 =	sadd.s32 s5, s8;
	s8 =	ssub.s32 s12, s31;
	s12 =	simm.s32 $0x1  }
0x18: {  	s5 =	sadd.s32 $0x100, s4;
	s8 =	smax.u32 s8, $0x1;
	s0 =	smov.u32 @p2 s9  }
0x19: {  	s9 =	simm.s32 $0x800;
	s0 =	smov.u32 @p0 s10;
	s10 =	simm.s32 $0x1000  }
.LBB2_2:
0x1a: {  	[tilespmem:s3], [sflag:$0x1] =	stream.linear.gather [hbm4b:s6+s3], $0x800, $0x38;
	[tilespmem:$0x2400] =	vst v63  }
0x1b: {  	_ = 	snop  }
0x1c: {  	[tilespmem:s9], [sflag:$0x1] =	stream.linear.gather [hbm4b:s7+s3], $0x800, $0x38;
	[tilespmem:$0x2400] =	vst v63  }
0x1d: {  	_ = 	snop  }
0x1e: {  	[tilespmem:s10], [sflag:$0x2] =	stream.linear.gather [hbm4b:s0+s3], $0x400, $0x38;
	[tilespmem:$0x2400] =	vst v63  }
0x1f: {  	_ =	swait.ge [sflag:s11], $0x400  }
0x20: {  	[sflag:s11] =	ssyncset.done $0x0  }
0x21: {  	[sflag:s11] =	ssyncadd.s32 $0xFFFFFC00  }
0x22: {  	_ =	swait.ge [sflag:s12], $0x800  }
0x23: {  	[sflag:s12] =	ssyncset.done $0x0  }
0x24: {  	s17 =	simm.s32 $0x20;
	[sflag:s12] =	ssyncadd.s32 $0xFFFFF800  }
0x25: {  	v0 =	vld [tilespmem:s17+$0x10];
	_ =	sdelay $0x1  }
0x26: {  	v2 =	vld [tilespmem:s17+$0xFFFFFFE0]  }
0x27: {  	v3 =	vld [tilespmem:s17+$0xFFFFFFF0]  }
0x28: {  	s31 =	simm.s32 $0x60;
	v4 =	vld [tilespmem:s17+$0x0]  }
0x29: {  	v7 =	vld [tilespmem:s31+$0x10]  }
0x2a: {  	v1 =	vld [tilespmem:s31+$0xFFFFFFF0]  }
0x2b: {  	v6 =	vld [tilespmem:s31+$0xFFFFFFE0]  }
0x2c: {  	v8 =	vld.idx.msk [tilespmem:v0+s10+$0x0], $0xffff  }
0x2d: {  	v0 =	vld [tilespmem:s31+$0x0]  }
0x2e: {  	v5 =	vld.idx.msk [tilespmem:v2+s10+$0x0], $0xffff  }
0x2f: {  	v2 =	vld.idx.msk [tilespmem:v3+s10+$0x0], $0xffff  }
0x30: {  	s17 =	simm.s32 $0x1420;
	v3 =	vld.idx.msk [tilespmem:v4+s10+$0x0], $0xffff  }
0x31: {  	s18 =	simm.s32 $0x4;
	s19 =	simm.s32 $0xA0;
	v4 =	vld.idx.msk [tilespmem:v7+s10+$0x0], $0xffff;
	[tilespmem:s17+$0x10] =	vst v8  }
.LBB2_3:
0x32: {  	v7 =	vld [tilespmem:s19+$0x10];
	s18 =	sadd.s32 $0x4, s18  }
0x33: {  	v8 =	vld [tilespmem:s19+$0xFFFFFFF0];
	p0 =	slt.u32 s18, $0x7C;
	[tilespmem:s17+$0xFFFFFFE0] =	vst v5  }
0x34: {  	v9 =	vld [tilespmem:s19+$0x0];
	[tilespmem:s17+$0xFFFFFFF0] =	vst v2  }
0x35: {  	v10 =	vld [tilespmem:s19+$0xFFFFFFE0];
	[tilespmem:s17+$0x0] =	vst v3  }
.Ltmp1:
0x36: {  	s17 =	sadd.s32 $0x40, s17;
	v5 =	vld.idx.msk [tilespmem:v6+s10+$0x0], $0xffff;
	(pc) =	sbr.rel @p0 .LBB2_3-.Ltmp1, $4  }
0x37: {  	v2 =	vld.idx.msk [tilespmem:v1+s10+$0x0], $0xffff;
	[tilespmem:s17+$0x10] =	vst v4  }
0x38: {  	v3 =	vld.idx.msk [tilespmem:v0+s10+$0x0], $0xffff;
	v1 =	vmov v8  }
0x39: {  	v0 =	vmov v9  }
0x3a: {  	s19 =	sadd.s32 $0x40, s19;
	v4 =	vld.idx.msk [tilespmem:v7+s10+$0x0], $0xffff;
	v6 =	vmov v10  }
0x3b: {  	_ =	sdelay $0x3  }
0x3c: {  	v6 =	vld.idx.msk [tilespmem:v6+s10+$0x0], $0xffff  }
0x3d: {  	[tilespmem:s17+$0xFFFFFFE0] =	vst v5;
	v1 =	vld.idx.msk [tilespmem:v1+s10+$0x0], $0xffff  }
0x3e: {  	v0 =	vld.idx.msk [tilespmem:v0+s10+$0x0], $0xffff;
	[tilespmem:s17+$0xFFFFFFF0] =	vst v2  }
0x3f: {  	s29 =	sadd.s32 $0x40, s17;
	[tilespmem:s17+$0x0] =	vst v3  }
0x40: {  	[tilespmem:s29+$0x10] =	vst v4  }
0x41: {  	[tilespmem:s29+$0xFFFFFFE0] =	vst v6  }
0x42: {  	[tilespmem:s29+$0xFFFFFFF0] =	vst v1  }
0x43: {  	[tilespmem:s29+$0x0] =	vst v0  }
0x44: {  	[hbm4b:s4+s3] =	stream.linear.scatter [tilespmem:s13], [sflag:$0x3], $0x800, $0x38;
	[tilespmem:$0x2400] =	vst v63  }
0x45: {  	_ =	swait.ge [sflag:s12], $0x800  }
0x46: {  	[sflag:s12] =	ssyncset.done $0x0  }
0x47: {  	s30 =	simm.s32 $0x830;
	[sflag:s12] =	ssyncadd.s32 $0xFFFFF800  }
0x48: {  	v0 =	vld [tilespmem:s30+$0x0];
	_ =	sdelay $0x1  }
0x49: {  	v2 =	vld [tilespmem:s30+$0xFFFFFFD0]  }
0x4a: {  	v3 =	vld [tilespmem:s30+$0xFFFFFFE0]  }
0x4b: {  	s31 =	simm.s32 $0x870;
	v4 =	vld [tilespmem:s30+$0xFFFFFFF0]  }
0x4c: {  	v7 =	vld [tilespmem:s31+$0x0]  }
0x4d: {  	v1 =	vld [tilespmem:s31+$0xFFFFFFE0]  }
0x4e: {  	v6 =	vld [tilespmem:s31+$0xFFFFFFD0]  }
0x4f: {  	v8 =	vld.idx.msk [tilespmem:v0+s10+$0x0], $0xffff  }
0x50: {  	v0 =	vld [tilespmem:s31+$0xFFFFFFF0]  }
0x51: {  	v5 =	vld.idx.msk [tilespmem:v2+s10+$0x0], $0xffff  }
0x52: {  	v2 =	vld.idx.msk [tilespmem:v3+s10+$0x0], $0xffff  }
0x53: {  	s17 =	simm.s32 $0x1C30;
	v3 =	vld.idx.msk [tilespmem:v4+s10+$0x0], $0xffff  }
0x54: {  	s18 =	simm.s32 $0x84;
	s19 =	simm.s32 $0x8B0;
	v4 =	vld.idx.msk [tilespmem:v7+s10+$0x0], $0xffff;
	[tilespmem:s17+$0x0] =	vst v8  }
.LBB2_5:
0x55: {  	v7 =	vld [tilespmem:s19+$0x0];
	s18 =	sadd.s32 $0x4, s18  }
0x56: {  	v8 =	vld [tilespmem:s19+$0xFFFFFFE0];
	p0 =	slt.u32 s18, $0xFC;
	[tilespmem:s17+$0xFFFFFFD0] =	vst v5  }
0x57: {  	v9 =	vld [tilespmem:s19+$0xFFFFFFF0];
	[tilespmem:s17+$0xFFFFFFE0] =	vst v2  }
0x58: {  	v10 =	vld [tilespmem:s19+$0xFFFFFFD0];
	[tilespmem:s17+$0xFFFFFFF0] =	vst v3  }
.Ltmp2:
0x59: {  	s17 =	sadd.s32 $0x40, s17;
	v5 =	vld.idx.msk [tilespmem:v6+s10+$0x0], $0xffff;
	(pc) =	sbr.rel @p0 .LBB2_5-.Ltmp2, $4  }
0x5a: {  	v2 =	vld.idx.msk [tilespmem:v1+s10+$0x0], $0xffff;
	[tilespmem:s17+$0x0] =	vst v4  }
0x5b: {  	v3 =	vld.idx.msk [tilespmem:v0+s10+$0x0], $0xffff;
	v1 =	vmov v8  }
0x5c: {  	v0 =	vmov v9  }
0x5d: {  	s19 =	sadd.s32 $0x40, s19;
	v4 =	vld.idx.msk [tilespmem:v7+s10+$0x0], $0xffff;
	v6 =	vmov v10  }
0x5e: {  	_ =	sdelay $0x3  }
0x5f: {  	v6 =	vld.idx.msk [tilespmem:v6+s10+$0x0], $0xffff  }
0x60: {  	[tilespmem:s17+$0xFFFFFFD0] =	vst v5;
	v1 =	vld.idx.msk [tilespmem:v1+s10+$0x0], $0xffff  }
0x61: {  	v0 =	vld.idx.msk [tilespmem:v0+s10+$0x0], $0xffff;
	[tilespmem:s17+$0xFFFFFFE0] =	vst v2  }
0x62: {  	s31 =	sadd.s32 $0x40, s17;
	[tilespmem:s17+$0xFFFFFFF0] =	vst v3  }
0x63: {  	[tilespmem:s31+$0x0] =	vst v4  }
0x64: {  	[tilespmem:s31+$0xFFFFFFD0] =	vst v6  }
0x65: {  	[tilespmem:s31+$0xFFFFFFE0] =	vst v1  }
0x66: {  	s16 =	sadd.s32 $0x1, s16;
	[tilespmem:s31+$0xFFFFFFF0] =	vst v0  }
0x67: {  	[hbm4b:s5+s3] =	stream.linear.scatter [tilespmem:s14], [sflag:$0x3], $0x800, $0x38;
	[tilespmem:$0x2400] =	vst v63  }
0x68: {  	p0 =	sne.s32 s16, s8;
	_ =	swait.ge [sflag:s15], $0x800  }
.Ltmp3:
0x69: {  	[sflag:s15] =	ssyncset.done $0x0;
	(pc) =	sbr.rel @p0 .LBB2_2-.Ltmp3, $4  }
0x6a: {  	[sflag:s15] =	ssyncadd.s32 $0xFFFFF800  }
0x6b: {  	_ =	swait.ge [sflag:s15], $0x800  }
0x6c: {  	[sflag:s15] =	ssyncset.done $0x0  }
0x6d: {  	[sflag:s15] =	ssyncadd.s32 $0xFFFFF800  }
.LBB2_7:
0x6e: {  	_ =	sfence.sel $0x180000  }
0x6f: {  	[bflag:$0x0] =	sbarrier.arrive $0xFFFF  }
0x70: {  	p0 =	sne.s32 s2, $0x0;
	_ =	strace $0x90000047  }
0x71: {  	s0 =	sadd.s32 @!p0 $0x100000, s1;
	[bflag:$0x2] =	sbarrier.arrive $0xFFFF  }
0x72: {  	[sflag:s0] =	ssyncadd.tile.s32 @!p0 $0x1;
	_ =	shalt  }
.Lfunc_end2:
_tile_overlayer_lowered:
.L_overlay_start_2:
0x73: {  	(tag) =	ssettag $0x2  }
0x74: {  	s0 =	rddreg [dreg:$0x0];
	s2 =	stileid.u32  }
0x75: {  	s1 =	rddreg [dreg:$0x1];
	p0 =	sne.s32 s2, $0x0  }
0x76: {  	s3 =	rddreg [dreg:$0x2];
	[bflag:$0x3] =	sbarrier.arrive $0xFFFF;
	s2 =	simm.s32 @!p0 $0x1C04  }
0x77: {  	[timem:s3], [sflag:s2] =	dma.local @!p0 [hbm:s0], s1  }
0x78: {  	s0 =	simm.s32 @!p0 $0x4  }
0x79: {  	_ =	swait.ge @!p0 [sflag:s0], s1  }
0x7a: {  	s1 =	ssub.s32 @!p0 $0x0, s1;
	[sflag:s0] =	ssyncset.done @!p0 $0x0  }
0x7b: {  	[sflag:s0] =	ssyncadd.s32 @!p0 s1  }
0x7c: {  	[bflag:$0x3] =	sbarrier.arrive $0xFFFF  }
0x7d: {  	_ =	shalt  }

</sc_bundles>
